<compile_context>
chip_gen: v7x
topology: tpu7x:2x2x1
jax: 0.10.2.dev20260603
libtpu: 0.0.44.dev20260713+nightly
codegen_flags: <defaults>
</compile_context>

<pallas_src>
import functools

import jax
import jax.numpy as jnp
from jax import lax
from jax.experimental import pallas as pl
from jax.experimental.pallas import tpu as pltpu
from jax.experimental.pallas import tpu_sc as plsc

_TEMPERATURE = 0.1
_EPS = 1e-12
_TILE = 4096


def _scan_body(nt, tile, b, xt_ref, bankt_ref, idx_ref, table_ref,
               xn_scr, max_scr, arg_scr, eye_scr):
    i = pl.program_id(0)

    @pl.when(i == 0)
    def _init():
        xt = xt_ref[...]
        n = jnp.sum(xt * xt, axis=0, keepdims=True)
        xn = xt * jnp.where(n > 1e-24, lax.rsqrt(n), 0.0)
        xn_scr[...] = xn.astype(jnp.bfloat16)
        max_scr[...] = jnp.full((b,), -jnp.inf, jnp.float32)
        arg_scr[...] = jnp.zeros((b,), jnp.int32)
        d = xt.shape[0]
        eye_scr[...] = jnp.where(
            lax.broadcasted_iota(jnp.int32, (d, 2 * d), 0)
            == (lax.broadcasted_iota(jnp.int32, (d, 2 * d), 1) & (d - 1)),
            1.0, 0.0)

    bt = bankt_ref[...]
    table_ref[...] = lax.dot_general(
        bt, eye_scr[...], (((0,), (0,)), ((), ())),
        preferred_element_type=jnp.float32)
    s = jnp.sum(bt * bt, axis=0, keepdims=True)
    btn = (bt * jnp.where(s > 1e-24, lax.rsqrt(s), 0.0)).astype(jnp.bfloat16)
    sim = lax.dot_general(
        btn, xn_scr[...], (((0,), (0,)), ((), ())),
        preferred_element_type=jnp.float32)
    bits = lax.bitcast_convert_type(sim, jnp.int32)
    rows = lax.broadcasted_iota(jnp.int32, sim.shape, 0)
    key = (bits & jnp.int32(-tile)) | (rows ^ jnp.int32(tile - 1))
    keyf = lax.bitcast_convert_type(key, jnp.float32)
    kmax = lax.bitcast_convert_type(jnp.max(keyf, axis=0), jnp.int32)
    simpart = lax.bitcast_convert_type(kmax & jnp.int32(-tile), jnp.float32)
    better = simpart > max_scr[...]
    amax = (kmax & jnp.int32(tile - 1)) ^ jnp.int32(tile - 1)
    arg_scr[...] = jnp.where(better, i * tile + amax, arg_scr[...])
    max_scr[...] = jnp.where(better, simpart, max_scr[...])

    @pl.when(i == nt - 1)
    def _fin():
        idx_ref[...] = arg_scr[...]


def _argmax_scan(out0t, bankt):
    d, b = out0t.shape
    v = bankt.shape[1]
    nt = v // _TILE
    return pl.pallas_call(
        functools.partial(_scan_body, nt, _TILE, b),
        grid=(nt,),
        in_specs=[
            pl.BlockSpec((d, b), lambda i: (0, 0)),
            pl.BlockSpec((d, _TILE), lambda i: (0, i)),
        ],
        out_specs=[
            pl.BlockSpec((b,), lambda i: (0,)),
            pl.BlockSpec((_TILE, 2 * d), lambda i: (i, 0)),
        ],
        out_shape=[
            jax.ShapeDtypeStruct((b,), jnp.int32),
            jax.ShapeDtypeStruct((v, 2 * d), jnp.float32),
        ],
        scratch_shapes=[
            pltpu.VMEM((d, b), jnp.bfloat16),
            pltpu.VMEM((b,), jnp.float32),
            pltpu.VMEM((b,), jnp.int32),
            pltpu.VMEM((d, 2 * d), jnp.float32),
        ],
        compiler_params=pltpu.CompilerParams(
            dimension_semantics=("arbitrary",)),
    )(out0t, bankt)


@functools.lru_cache(maxsize=None)
def _build_sc_gather(v, d2, b):
    info = plsc.get_sparse_core_info()
    nw = info.num_cores * info.num_subcores
    b_per_w = b // nw
    nc = info.num_cores
    mesh = plsc.VectorSubcoreMesh(core_axis_name="c", subcore_axis_name="s")

    @functools.partial(
        pl.kernel, mesh=mesh,
        out_type=jax.ShapeDtypeStruct((b, d2), jnp.float32),
        scratch_types=[
            pltpu.VMEM((b_per_w,), jnp.int32),
            pltpu.VMEM((b_per_w, d2), jnp.float32),
            pltpu.SemaphoreType.DMA,
        ],
    )
    def gather(table_hbm, idx_hbm, out_hbm, idx_v, rows_v, sem):
        wid = lax.axis_index("s") * nc + lax.axis_index("c")
        base = wid * b_per_w
        pltpu.sync_copy(idx_hbm.at[pl.ds(base, b_per_w)], idx_v)
        pltpu.async_copy(table_hbm.at[idx_v], rows_v, sem).wait()
        pltpu.sync_copy(rows_v, out_hbm.at[pl.ds(base, b_per_w)])

    return gather


def _loss_body(b, d, wide_ref, ct_ref, out_ref):
    a = wide_ref[...][:, :d]
    ct = ct_ref[...]
    za = a / jnp.maximum(jnp.sqrt(jnp.sum(a * a, axis=1, keepdims=True)), _EPS)
    n1 = jnp.sum(ct * ct, axis=0, keepdims=True)
    zct = ct * jnp.where(n1 > 1e-24, lax.rsqrt(n1), 0.0)
    logits = lax.dot_general(
        za, zct, (((1,), (0,)), ((), ())),
        preferred_element_type=jnp.float32) / _TEMPERATURE
    m0 = jnp.max(logits, axis=1, keepdims=True)
    lse0 = jnp.log(jnp.sum(jnp.exp(logits - m0), axis=1)) + m0[:, 0]
    m1 = jnp.max(logits, axis=0, keepdims=True)
    lse1 = jnp.log(jnp.sum(jnp.exp(logits - m1), axis=0)) + m1[0, :]
    r = lax.broadcasted_iota(jnp.int32, logits.shape, 0)
    col = lax.broadcasted_iota(jnp.int32, logits.shape, 1)
    diag = jnp.sum(jnp.where(r == col, logits, 0.0))
    loss = (0.5 * (jnp.sum(lse0) + jnp.sum(lse1)) - diag) / b
    out_ref[...] = loss[None, None]


def _ntxent(wide, out1t):
    d, b = out1t.shape
    res = pl.pallas_call(
        functools.partial(_loss_body, b, d),
        out_shape=jax.ShapeDtypeStruct((1, 1), jnp.float32),
    )(wide, out1t)
    return res[0, 0]


def kernel(out0, out1, bank):
    b, d = out0.shape
    v = bank.shape[0]
    idx, table = _argmax_scan(out0.T, bank.T)
    wide = _build_sc_gather(v, 2 * d, b)(table, idx)
    return _ntxent(wide, out1.T)

# --- scband reference (transcript-rebuilt; emitter-appended) ---
"""Pipeline reference for scband-loss-with-nn-89584427860210 (READ-ONLY COPY).

The authoritative reference and input builder live on the scoring server;
editing this copy changes nothing except your own understanding.
"""

import jax, jax.numpy as jnp
import numpy as np

BATCH = 1024
DIM = 64
BANK_SIZE = 65536
TEMPERATURE = 0.1


def _normalize(x, axis=1, eps=1e-12):
    n = jnp.linalg.norm(x, axis=axis, keepdims=True)
    return x / jnp.maximum(n, eps)


def _nn_lookup(x_normed, bank):
    # NNmemoryBankModule: cosine-sim argmax retrieval from the memory bank
    bank_normed = _normalize(bank, axis=1)
    similarity_matrix = jnp.einsum('nd,md->nm', x_normed, bank_normed)  # [B, BANK]
    index_nearest = jnp.argmax(similarity_matrix, axis=1)
    nearest = jnp.take(bank, index_nearest, axis=0)  # gather rows from bank
    return nearest


def _ntxent_loss(z0, z1, temperature=TEMPERATURE):
    # base_loss = NTXentLoss (InfoNCE with in-batch negatives, symmetric)
    z0 = _normalize(z0, axis=1)
    z1 = _normalize(z1, axis=1)
    logits = (z0 @ z1.T) / temperature  # [B, B]
    labels = jnp.arange(z0.shape[0])
    logp01 = jax.nn.log_softmax(logits, axis=1)
    logp10 = jax.nn.log_softmax(logits.T, axis=1)
    loss0 = -jnp.take_along_axis(logp01, labels[:, None], axis=1).mean()
    loss1 = -jnp.take_along_axis(logp10, labels[:, None], axis=1).mean()
    return 0.5 * (loss0 + loss1)


def setup_inputs(seed: int = 0) -> dict:
    key = jax.random.key(seed)
    k0, k1, k2 = jax.random.split(key, 3)
    out0 = jax.random.normal(k0, (BATCH, DIM), dtype=jnp.float32)
    out1 = jax.random.normal(k1, (BATCH, DIM), dtype=jnp.float32)
    # memory bank buffer (size x dim), sized per init_kwargs nn_memory_bank_size
    bank = jax.random.normal(k2, (BANK_SIZE, DIM), dtype=jnp.float32)
    return {'out0': out0, 'out1': out1, 'bank': bank}


def reference(out0, out1, bank):
    # LossWithNN.forward with out0 a plain tensor:
    #   out0 = normalize(out0); out0 = nn_memory_bank(out0, update=True)
    #   loss = base_loss(out0, out1)
    out0_normed = _normalize(out0, axis=1)
    nn0 = _nn_lookup(out0_normed, bank)
    # ring-buffer enqueue is a no-grad side effect on the bank; it does not
    # affect the returned loss (search uses the pre-update bank), so it is
    # not part of the returned value.
    loss = _ntxent_loss(nn0, out1)
    return loss

if __name__ == "__main__":
    import jax
    _d = setup_inputs()
    print(jax.jit(kernel)(*tuple(_d.values())))

</pallas_src>

<mosaic_0001>
#map = affine_map<(d0, d1) -> (0, 0)>
#map1 = affine_map<(d0, d1) -> (0)>
module attributes {stable_mosaic.version = 14 : i64} {
  func.func @gather(%arg0: i32, %arg1: i32, %arg2: memref<65536x128xf32, #tpu.memory_space<hbm>>, %arg3: memref<1024xi32, #tpu.memory_space<hbm>>, %arg4: memref<1024x128xf32, #tpu.memory_space<hbm>>, %arg5: memref<32xi32, #tpu.memory_space<vmem>>, %arg6: memref<32x128xf32, #tpu.memory_space<vmem>>, %arg7: memref<!tpu.dma_semaphore, #tpu.memory_space<semaphore_mem>>) attributes {dimension_semantics = [#tpu.dimension_semantics<core_parallel>, #tpu.dimension_semantics<subcore_parallel>], iteration_bounds = array<i64: 2, 16>, scalar_prefetch = 0 : i64, scratch_operands = 3 : i64, tpu.core_type = #tpu.core_type<sc_vector_subcore>, window_params = [{transform_indices = #map}, {transform_indices = #map1}, {transform_indices = #map}]} {
    %mul3A = arith.constant 2 : i32
    %mul3A_0 = arith.muli %arg1, %mul3A : i32
    %add3A = arith.addi %mul3A_0, %arg0 : i32
    %mul3A_1 = arith.constant 32 : i32
    %mul3A_2 = arith.muli %add3A, %mul3A_1 : i32
    "tpu.region"() ({
      %run_scoped3A = tpu.sem_alloc : memref<!tpu.dma_semaphore, #tpu.memory_space<semaphore_mem>>
      %dma_start3A_7 = tpu.memref_slice %arg3[%mul3A_2] : memref<1024xi32, #tpu.memory_space<hbm>> -> memref<32xi32, #tpu.memory_space<hbm>>
      %dma_start3A_8 = tpu.memref_slice %arg3[%mul3A_2] : memref<1024xi32, #tpu.memory_space<hbm>> -> memref<32xi32, #tpu.memory_space<hbm>>
      tpu.enqueue_dma source(%dma_start3A_8 : memref<32xi32, #tpu.memory_space<hbm>>) target(%arg5 : memref<32xi32, #tpu.memory_space<vmem>>) target_semaphore(%run_scoped3A : memref<!tpu.dma_semaphore, #tpu.memory_space<semaphore_mem>>)
      %dma_wait3A_9 = tpu.memref_slice %arg3[%mul3A_2] : memref<1024xi32, #tpu.memory_space<hbm>> -> memref<32xi32, #tpu.memory_space<hbm>>
      %dma_wait3A_10 = tpu.memref_slice %arg3[%mul3A_2] : memref<1024xi32, #tpu.memory_space<hbm>> -> memref<32xi32, #tpu.memory_space<hbm>>
      tpu.wait_dma2 semaphore(%run_scoped3A : memref<!tpu.dma_semaphore, #tpu.memory_space<semaphore_mem>>) src(%dma_wait3A_10 : memref<32xi32, #tpu.memory_space<hbm>>) dst(%arg5 : memref<32xi32, #tpu.memory_space<vmem>>)
      tpu.yield
    }) : () -> ()
    %dma_start3A = arith.constant 0 : i32
    %dma_start3A_3 = arith.constant 0 : i32
    %dma_start3A_4 = tpu.memref_slice %arg2[%dma_start3A, %dma_start3A_3] : memref<65536x128xf32, #tpu.memory_space<hbm>> -> memref<65536x128xf32, #tpu.memory_space<hbm>>
    tpu.enqueue_indirect_dma source(%dma_start3A_4 : memref<65536x128xf32, #tpu.memory_space<hbm>>) target(%arg6 : memref<32x128xf32, #tpu.memory_space<vmem>>) offsets(%arg5 : memref<32xi32, #tpu.memory_space<vmem>>) semaphore(%arg7 : memref<!tpu.dma_semaphore, #tpu.memory_space<semaphore_mem>>)
    %dma_wait3A = arith.constant 0 : i32
    %dma_wait3A_5 = arith.constant 0 : i32
    %dma_wait3A_6 = tpu.memref_slice %arg2[%dma_wait3A, %dma_wait3A_5] : memref<65536x128xf32, #tpu.memory_space<hbm>> -> memref<65536x128xf32, #tpu.memory_space<hbm>>
    tpu.wait_indirect_dma semaphore(%arg7 : memref<!tpu.dma_semaphore, #tpu.memory_space<semaphore_mem>>) src(%dma_wait3A_6 : memref<65536x128xf32, #tpu.memory_space<hbm>>) dst(%arg6 : memref<32x128xf32, #tpu.memory_space<vmem>>)
    "tpu.region"() ({
      %run_scoped3A = tpu.sem_alloc : memref<!tpu.dma_semaphore, #tpu.memory_space<semaphore_mem>>
      %dma_start3A_7 = arith.constant 0 : i32
      %dma_start3A_8 = tpu.memref_slice %arg4[%mul3A_2, %dma_start3A_7] : memref<1024x128xf32, #tpu.memory_space<hbm>> -> memref<32x128xf32, #tpu.memory_space<hbm>>
      %dma_start3A_9 = arith.constant 0 : i32
      %dma_start3A_10 = tpu.memref_slice %arg4[%mul3A_2, %dma_start3A_9] : memref<1024x128xf32, #tpu.memory_space<hbm>> -> memref<32x128xf32, #tpu.memory_space<hbm>>
      tpu.enqueue_dma source(%arg6 : memref<32x128xf32, #tpu.memory_space<vmem>>) target(%dma_start3A_10 : memref<32x128xf32, #tpu.memory_space<hbm>>) target_semaphore(%run_scoped3A : memref<!tpu.dma_semaphore, #tpu.memory_space<semaphore_mem>>)
      %dma_wait3A_11 = arith.constant 0 : i32
      %dma_wait3A_12 = tpu.memref_slice %arg4[%mul3A_2, %dma_wait3A_11] : memref<1024x128xf32, #tpu.memory_space<hbm>> -> memref<32x128xf32, #tpu.memory_space<hbm>>
      %dma_wait3A_13 = arith.constant 0 : i32
      %dma_wait3A_14 = tpu.memref_slice %arg4[%mul3A_2, %dma_wait3A_13] : memref<1024x128xf32, #tpu.memory_space<hbm>> -> memref<32x128xf32, #tpu.memory_space<hbm>>
      tpu.wait_dma2 semaphore(%run_scoped3A : memref<!tpu.dma_semaphore, #tpu.memory_space<semaphore_mem>>) src(%arg6 : memref<32x128xf32, #tpu.memory_space<vmem>>) dst(%dma_wait3A_14 : memref<32x128xf32, #tpu.memory_space<hbm>>)
      tpu.yield
    }) : () -> ()
    return
  }
}

module attributes {stable_mosaic.version = 14 : i64} {
  func.func @_loss_body(%arg0: memref<1024x128xf32, #tpu.memory_space<vmem>>, %arg1: memref<64x1024xf32, #tpu.memory_space<vmem>>, %arg2: memref<1x1xf32, #tpu.memory_space<vmem>>) attributes {dimension_semantics = [], scalar_prefetch = 0 : i64, scratch_operands = 0 : i64, tpu.core_type = #tpu.core_type<tc>} {
    %get3A = arith.constant 0 : index
    %get3A_0 = arith.constant 0 : index
    %get3A_1 = vector.load %arg0[%get3A, %get3A_0] : memref<1024x128xf32, #tpu.memory_space<vmem>>, vector<1024x128xf32>
    %slice3A = vector.extract_strided_slice %get3A_1 {offsets = [0, 0], sizes = [1024, 64], strides = [1, 1]} : vector<1024x128xf32> to vector<1024x64xf32>
    %get3A_2 = arith.constant 0 : index
    %get3A_3 = arith.constant 0 : index
    %get3A_4 = vector.load %arg1[%get3A_2, %get3A_3] : memref<64x1024xf32, #tpu.memory_space<vmem>>, vector<64x1024xf32>
    %mul3A = arith.mulf %slice3A, %slice3A : vector<1024x64xf32>
    %reduce_sum3A = arith.constant dense<0.000000e+00> : vector<1024xf32>
    %reduce_sum3A_5 = vector.multi_reduction <add>, %mul3A, %reduce_sum3A [1] : vector<1024x64xf32> to vector<1024xf32>
    %broadcast_in_dim3A = vector.shape_cast %reduce_sum3A_5 : vector<1024xf32> to vector<1024x1xf32>
    %sqrt3A = math.sqrt %broadcast_in_dim3A : vector<1024x1xf32>
    %max3A = arith.constant 9.99999996E-13 : f32
    %max3A_6 = vector.broadcast %max3A : f32 to vector<1024x1xf32>
    %max3A_7 = arith.maximumf %sqrt3A, %max3A_6 : vector<1024x1xf32>
    %div3A = vector.broadcast %max3A_7 : vector<1024x1xf32> to vector<1024x64xf32>
    %div3A_8 = arith.divf %slice3A, %div3A : vector<1024x64xf32>
    %mul3A_9 = arith.mulf %get3A_4, %get3A_4 : vector<64x1024xf32>
    %reduce_sum3A_10 = arith.constant dense<0.000000e+00> : vector<1024xf32>
    %reduce_sum3A_11 = vector.multi_reduction <add>, %mul3A_9, %reduce_sum3A_10 [0] : vector<64x1024xf32> to vector<1024xf32>
    %broadcast_in_dim3A_12 = vector.shape_cast %reduce_sum3A_11 : vector<1024xf32> to vector<1x1024xf32>
    %gt3A = arith.constant 1.000000e-24 : f32
    %gt3A_13 = vector.broadcast %gt3A : f32 to vector<1x1024xf32>
    %gt3A_14 = arith.cmpf ogt, %broadcast_in_dim3A_12, %gt3A_13 : vector<1x1024xf32>
    %rsqrt3A = math.rsqrt %broadcast_in_dim3A_12 : vector<1x1024xf32>
    %jit3A = arith.constant 0.000000e+00 : f32
    %broadcast_in_dim3A_15 = vector.broadcast %jit3A : f32 to vector<1x1024xf32>
    %select_n3A = arith.select %gt3A_14, %rsqrt3A, %broadcast_in_dim3A_15 : vector<1x1024xi1>, vector<1x1024xf32>
    %mul3A_16 = vector.broadcast %select_n3A : vector<1x1024xf32> to vector<64x1024xf32>
    %mul3A_17 = arith.mulf %get3A_4, %mul3A_16 : vector<64x1024xf32>
    %dot_general3A = arith.constant dense<0.000000e+00> : vector<1024x1024xf32>
    %dot_general3A_18 = tpu.matmul %div3A_8, %mul3A_17, %dot_general3A {dimension_numbers = #tpu.dot_dimension_numbers<[1], [0], [0], [1], [0, 0, 1, 1], [], []>, transpose_lhs_hint = false} : vector<1024x64xf32>, vector<64x1024xf32>, vector<1024x1024xf32> -> vector<1024x1024xf32>
    %div3A_19 = arith.constant 1.000000e-01 : f32
    %div3A_20 = vector.broadcast %div3A_19 : f32 to vector<1024x1024xf32>
    %div3A_21 = arith.divf %dot_general3A_18, %div3A_20 : vector<1024x1024xf32>
    %reduce_max3A = arith.constant dense<0xFF800000> : vector<1024xf32>
    %reduce_max3A_22 = vector.multi_reduction <maximumf>, %div3A_21, %reduce_max3A [1] : vector<1024x1024xf32> to vector<1024xf32>
    %broadcast_in_dim3A_23 = vector.shape_cast %reduce_max3A_22 : vector<1024xf32> to vector<1024x1xf32>
    %sub3A = vector.broadcast %broadcast_in_dim3A_23 : vector<1024x1xf32> to vector<1024x1024xf32>
    %sub3A_24 = arith.subf %div3A_21, %sub3A : vector<1024x1024xf32>
    %exp3A = math.exp %sub3A_24 : vector<1024x1024xf32>
    %reduce_sum3A_25 = arith.constant dense<0.000000e+00> : vector<1024xf32>
    %reduce_sum3A_26 = vector.multi_reduction <add>, %exp3A, %reduce_sum3A_25 [1] : vector<1024x1024xf32> to vector<1024xf32>
    %log3A = math.log %reduce_sum3A_26 : vector<1024xf32>
    %squeeze3A = vector.shape_cast %broadcast_in_dim3A_23 : vector<1024x1xf32> to vector<1024xf32>
    %add3A = arith.addf %log3A, %squeeze3A : vector<1024xf32>
    %reduce_max3A_27 = arith.constant dense<0xFF800000> : vector<1024xf32>
    %reduce_max3A_28 = vector.multi_reduction <maximumf>, %div3A_21, %reduce_max3A_27 [0] : vector<1024x1024xf32> to vector<1024xf32>
    %broadcast_in_dim3A_29 = vector.shape_cast %reduce_max3A_28 : vector<1024xf32> to vector<1x1024xf32>
    %sub3A_30 = vector.broadcast %broadcast_in_dim3A_29 : vector<1x1024xf32> to vector<1024x1024xf32>
    %sub3A_31 = arith.subf %div3A_21, %sub3A_30 : vector<1024x1024xf32>
    %exp3A_32 = math.exp %sub3A_31 : vector<1024x1024xf32>
    %reduce_sum3A_33 = arith.constant dense<0.000000e+00> : vector<1024xf32>
    %reduce_sum3A_34 = vector.multi_reduction <add>, %exp3A_32, %reduce_sum3A_33 [0] : vector<1024x1024xf32> to vector<1024xf32>
    %log3A_35 = math.log %reduce_sum3A_34 : vector<1024xf32>
    %squeeze3A_36 = vector.shape_cast %broadcast_in_dim3A_29 : vector<1x1024xf32> to vector<1024xf32>
    %add3A_37 = arith.addf %log3A_35, %squeeze3A_36 : vector<1024xf32>
    %iota3A = tpu.iota {dimensions = array<i32: 0>} : vector<1024x1024xi32>
    %iota3A_38 = tpu.iota {dimensions = array<i32: 1>} : vector<1024x1024xi32>
    %eq3A = arith.cmpi eq, %iota3A, %iota3A_38 : vector<1024x1024xi32>
    %jit3A_39 = arith.constant 0.000000e+00 : f32
    %broadcast_in_dim3A_40 = vector.broadcast %jit3A_39 : f32 to vector<1024x1024xf32>
    %select_n3A_41 = arith.select %eq3A, %div3A_21, %broadcast_in_dim3A_40 : vector<1024x1024xi1>, vector<1024x1024xf32>
    %reduce_sum3A_42 = vector.shape_cast %select_n3A_41 : vector<1024x1024xf32> to vector<1x1024x1024xf32>
    %reduce_sum3A_43 = arith.constant dense<0.000000e+00> : vector<1xf32>
    %reduce_sum3A_44 = vector.multi_reduction <add>, %reduce_sum3A_42, %reduce_sum3A_43 [1, 2] : vector<1x1024x1024xf32> to vector<1xf32>
    %reduce_sum3A_45 = vector.shape_cast %reduce_sum3A_44 : vector<1xf32> to vector<1x1x1xf32>
    %reduce_sum3A_46 = vector.extract %reduce_sum3A_45[0, 0, 0] : f32 from vector<1x1x1xf32>
    %reduce_sum3A_47 = vector.shape_cast %add3A : vector<1024xf32> to vector<1x1024xf32>
    %reduce_sum3A_48 = arith.constant dense<0.000000e+00> : vector<1xf32>
    %reduce_sum3A_49 = vector.multi_reduction <add>, %reduce_sum3A_47, %reduce_sum3A_48 [1] : vector<1x1024xf32> to vector<1xf32>
    %reduce_sum3A_50 = vector.shape_cast %reduce_sum3A_49 : vector<1xf32> to vector<1x1xf32>
    %reduce_sum3A_51 = vector.extract %reduce_sum3A_50[0, 0] : f32 from vector<1x1xf32>
    %reduce_sum3A_52 = vector.shape_cast %add3A_37 : vector<1024xf32> to vector<1x1024xf32>
    %reduce_sum3A_53 = arith.constant dense<0.000000e+00> : vector<1xf32>
    %reduce_sum3A_54 = vector.multi_reduction <add>, %reduce_sum3A_52, %reduce_sum3A_53 [1] : vector<1x1024xf32> to vector<1xf32>
    %reduce_sum3A_55 = vector.shape_cast %reduce_sum3A_54 : vector<1xf32> to vector<1x1xf32>
    %reduce_sum3A_56 = vector.extract %reduce_sum3A_55[0, 0] : f32 from vector<1x1xf32>
    %add3A_57 = arith.addf %reduce_sum3A_51, %reduce_sum3A_56 : f32
    %mul3A_58 = arith.constant 5.000000e-01 : f32
    %mul3A_59 = arith.mulf %mul3A_58, %add3A_57 : f32
    %sub3A_60 = arith.subf %mul3A_59, %reduce_sum3A_46 : f32
    %div3A_61 = arith.constant 1.024000e+03 : f32
    %div3A_62 = arith.divf %sub3A_60, %div3A_61 : f32
    %broadcast_in_dim3A_63 = vector.broadcast %div3A_62 : f32 to vector<1x1xf32>
    %swap3A = arith.constant 0 : index
    %swap3A_64 = arith.constant 0 : index
    %swap3A_65 = vector.load %arg2[%swap3A, %swap3A_64] : memref<1x1xf32, #tpu.memory_space<vmem>>, vector<1x1xf32>
    tpu.vector_store %arg2[%swap3A, %swap3A_64], %broadcast_in_dim3A_63 {strides = array<i32>} : memref<1x1xf32, #tpu.memory_space<vmem>>, vector<1x1xf32>,
    return
  }
}

module attributes {stable_mosaic.version = 14 : i64} {
  func.func @_scan_body(%arg0: i32, %arg1: memref<64x1024xf32, #tpu.memory_space<vmem>>, %arg2: memref<64x4096xf32, #tpu.memory_space<vmem>>, %arg3: memref<1024xi32, #tpu.memory_space<vmem>>, %arg4: memref<4096x128xf32, #tpu.memory_space<vmem>>, %arg5: memref<64x1024xbf16, #tpu.memory_space<vmem>>, %arg6: memref<1024xf32, #tpu.memory_space<vmem>>, %arg7: memref<1024xi32, #tpu.memory_space<vmem>>, %arg8: memref<64x128xf32, #tpu.memory_space<vmem>>) attributes {dimension_semantics = [#tpu.dimension_semantics<arbitrary>], iteration_bounds = array<i64: 16>, scalar_prefetch = 0 : i64, scratch_operands = 4 : i64, tpu.core_type = #tpu.core_type<tc>, window_params = [{pipeline_mode = #tpu.pipeline_mode<synchronous>, transform_indices = @transform_0, window_bounds = array<i64: 64, 1024>}, {transform_indices = @transform_1, window_bounds = array<i64: 64, 4096>}, {pipeline_mode = #tpu.pipeline_mode<synchronous>, transform_indices = @transform_2, window_bounds = array<i64: 1024>}, {transform_indices = @transform_3, window_bounds = array<i64: 4096, 128>}]} {
    %eq3A = arith.constant 0 : i32
    %eq3A_0 = arith.cmpi eq, %arg0, %eq3A : i32
    %convert_element_type3A = arith.extui %eq3A_0 : i1 to i32
    %cond3A = arith.constant 0 : i32
    %cond3A_1 = arith.cmpi ne, %convert_element_type3A, %cond3A : i32
    scf.if %cond3A_1 {
      %get3A_60 = arith.constant 0 : index
      %get3A_61 = arith.constant 0 : index
      %get3A_62 = vector.load %arg1[%get3A_60, %get3A_61] : memref<64x1024xf32, #tpu.memory_space<vmem>>, vector<64x1024xf32>
      %mul3A_63 = arith.mulf %get3A_62, %get3A_62 : vector<64x1024xf32>
      %reduce_sum3A_64 = arith.constant dense<0.000000e+00> : vector<1024xf32>
      %reduce_sum3A_65 = vector.multi_reduction <add>, %mul3A_63, %reduce_sum3A_64 [0] : vector<64x1024xf32> to vector<1024xf32>
      %broadcast_in_dim3A_66 = vector.shape_cast %reduce_sum3A_65 : vector<1024xf32> to vector<1x1024xf32>
      %gt3A_67 = arith.constant 1.000000e-24 : f32
      %gt3A_68 = vector.broadcast %gt3A_67 : f32 to vector<1x1024xf32>
      %gt3A_69 = arith.cmpf ogt, %broadcast_in_dim3A_66, %gt3A_68 : vector<1x1024xf32>
      %rsqrt3A_70 = math.rsqrt %broadcast_in_dim3A_66 : vector<1x1024xf32>
      %jit3A_71 = arith.constant 0.000000e+00 : f32
      %broadcast_in_dim3A_72 = vector.broadcast %jit3A_71 : f32 to vector<1x1024xf32>
      %select_n3A_73 = arith.select %gt3A_69, %rsqrt3A_70, %broadcast_in_dim3A_72 : vector<1x1024xi1>, vector<1x1024xf32>
      %mul3A_74 = vector.broadcast %select_n3A_73 : vector<1x1024xf32> to vector<64x1024xf32>
      %mul3A_75 = arith.mulf %get3A_62, %mul3A_74 : vector<64x1024xf32>
      %convert_element_type3A_76 = arith.truncf %mul3A_75 : vector<64x1024xf32> to vector<64x1024xbf16>
      %swap3A_77 = arith.constant 0 : index
      %swap3A_78 = arith.constant 0 : index
      %swap3A_79 = vector.load %arg5[%swap3A_77, %swap3A_78] : memref<64x1024xbf16, #tpu.memory_space<vmem>>, vector<64x1024xbf16>
      tpu.vector_store %arg5[%swap3A_77, %swap3A_78], %convert_element_type3A_76 {strides = array<i32>} : memref<64x1024xbf16, #tpu.memory_space<vmem>>, vector<64x1024xbf16>,
      %broadcast_in_dim3A_80 = arith.constant 0xFF800000 : f32
      %broadcast_in_dim3A_81 = vector.broadcast %broadcast_in_dim3A_80 : f32 to vector<1024xf32>
      %swap3A_82 = arith.constant 0 : index
      %swap3A_83 = vector.load %arg6[%swap3A_82] : memref<1024xf32, #tpu.memory_space<vmem>>, vector<1024xf32>
      tpu.vector_store %arg6[%swap3A_82], %broadcast_in_dim3A_81 {strides = array<i32>} : memref<1024xf32, #tpu.memory_space<vmem>>, vector<1024xf32>,
      %broadcast_in_dim3A_84 = arith.constant 0 : i32
      %broadcast_in_dim3A_85 = vector.broadcast %broadcast_in_dim3A_84 : i32 to vector<1024xi32>
      %swap3A_86 = arith.constant 0 : index
      %swap3A_87 = vector.load %arg7[%swap3A_86] : memref<1024xi32, #tpu.memory_space<vmem>>, vector<1024xi32>
      tpu.vector_store %arg7[%swap3A_86], %broadcast_in_dim3A_85 {strides = array<i32>} : memref<1024xi32, #tpu.memory_space<vmem>>, vector<1024xi32>,
      %iota3A_88 = tpu.iota {dimensions = array<i32: 0>} : vector<64x128xi32>
      %iota3A_89 = tpu.iota {dimensions = array<i32: 1>} : vector<64x128xi32>
      %and3A_90 = arith.constant 63 : i32
      %and3A_91 = vector.broadcast %and3A_90 : i32 to vector<64x128xi32>
      %and3A_92 = arith.andi %iota3A_89, %and3A_91 : vector<64x128xi32>
      %eq3A_93 = arith.cmpi eq, %iota3A_88, %and3A_92 : vector<64x128xi32>
      %jit3A_94 = arith.constant 1.000000e+00 : f32
      %jit3A_95 = arith.constant 0.000000e+00 : f32
      %broadcast_in_dim3A_96 = vector.broadcast %jit3A_94 : f32 to vector<64x128xf32>
      %broadcast_in_dim3A_97 = vector.broadcast %jit3A_95 : f32 to vector<64x128xf32>
      %select_n3A_98 = arith.select %eq3A_93, %broadcast_in_dim3A_96, %broadcast_in_dim3A_97 : vector<64x128xi1>, vector<64x128xf32>
      %swap3A_99 = arith.constant 0 : index
      %swap3A_100 = arith.constant 0 : index
      %swap3A_101 = vector.load %arg8[%swap3A_99, %swap3A_100] : memref<64x128xf32, #tpu.memory_space<vmem>>, vector<64x128xf32>
      tpu.vector_store %arg8[%swap3A_99, %swap3A_100], %select_n3A_98 {strides = array<i32>} : memref<64x128xf32, #tpu.memory_space<vmem>>, vector<64x128xf32>,
    } else {
    }
    %get3A = arith.constant 0 : index
    %get3A_2 = arith.constant 0 : index
    %get3A_3 = vector.load %arg2[%get3A, %get3A_2] : memref<64x4096xf32, #tpu.memory_space<vmem>>, vector<64x4096xf32>
    %get3A_4 = arith.constant 0 : index
    %get3A_5 = arith.constant 0 : index
    %get3A_6 = vector.load %arg8[%get3A_4, %get3A_5] : memref<64x128xf32, #tpu.memory_space<vmem>>, vector<64x128xf32>
    %dot_general3A = arith.constant dense<0.000000e+00> : vector<4096x128xf32>
    %dot_general3A_7 = tpu.matmul %get3A_3, %get3A_6, %dot_general3A {dimension_numbers = #tpu.dot_dimension_numbers<[0], [0], [1], [1], [0, 1, 1, 1], [], []>, transpose_lhs_hint = false} : vector<64x4096xf32>, vector<64x128xf32>, vector<4096x128xf32> -> vector<4096x128xf32>
    %swap3A = arith.constant 0 : index
    %swap3A_8 = arith.constant 0 : index
    %swap3A_9 = vector.load %arg4[%swap3A, %swap3A_8] : memref<4096x128xf32, #tpu.memory_space<vmem>>, vector<4096x128xf32>
    tpu.vector_store %arg4[%swap3A, %swap3A_8], %dot_general3A_7 {strides = array<i32>} : memref<4096x128xf32, #tpu.memory_space<vmem>>, vector<4096x128xf32>,
    %mul3A = arith.mulf %get3A_3, %get3A_3 : vector<64x4096xf32>
    %reduce_sum3A = arith.constant dense<0.000000e+00> : vector<4096xf32>
    %reduce_sum3A_10 = vector.multi_reduction <add>, %mul3A, %reduce_sum3A [0] : vector<64x4096xf32> to vector<4096xf32>
    %broadcast_in_dim3A = vector.shape_cast %reduce_sum3A_10 : vector<4096xf32> to vector<1x4096xf32>
    %gt3A = arith.constant 1.000000e-24 : f32
    %gt3A_11 = vector.broadcast %gt3A : f32 to vector<1x4096xf32>
    %gt3A_12 = arith.cmpf ogt, %broadcast_in_dim3A, %gt3A_11 : vector<1x4096xf32>
    %rsqrt3A = math.rsqrt %broadcast_in_dim3A : vector<1x4096xf32>
    %jit3A = arith.constant 0.000000e+00 : f32
    %broadcast_in_dim3A_13 = vector.broadcast %jit3A : f32 to vector<1x4096xf32>
    %select_n3A = arith.select %gt3A_12, %rsqrt3A, %broadcast_in_dim3A_13 : vector<1x4096xi1>, vector<1x4096xf32>
    %mul3A_14 = vector.broadcast %select_n3A : vector<1x4096xf32> to vector<64x4096xf32>
    %mul3A_15 = arith.mulf %get3A_3, %mul3A_14 : vector<64x4096xf32>
    %convert_element_type3A_16 = arith.truncf %mul3A_15 : vector<64x4096xf32> to vector<64x4096xbf16>
    %get3A_17 = arith.constant 0 : index
    %get3A_18 = arith.constant 0 : index
    %get3A_19 = vector.load %arg5[%get3A_17, %get3A_18] : memref<64x1024xbf16, #tpu.memory_space<vmem>>, vector<64x1024xbf16>
    %dot_general3A_20 = arith.constant dense<0.000000e+00> : vector<4096x1024xf32>
    %dot_general3A_21 = tpu.matmul %convert_element_type3A_16, %get3A_19, %dot_general3A_20 {dimension_numbers = #tpu.dot_dimension_numbers<[0], [0], [1], [1], [0, 1, 1, 1], [], []>, transpose_lhs_hint = false} : vector<64x4096xbf16>, vector<64x1024xbf16>, vector<4096x1024xf32> -> vector<4096x1024xf32>
    %bitcast_convert_type3A = tpu.bitcast %dot_general3A_21 : vector<4096x1024xf32> -> vector<4096x1024xi32>
    %iota3A = tpu.iota {dimensions = array<i32: 0>} : vector<4096x1024xi32>
    %and3A = arith.constant -4096 : i32
    %and3A_22 = vector.broadcast %and3A : i32 to vector<4096x1024xi32>
    %and3A_23 = arith.andi %bitcast_convert_type3A, %and3A_22 : vector<4096x1024xi32>
    %xor3A = arith.constant 4095 : i32
    %xor3A_24 = vector.broadcast %xor3A : i32 to vector<4096x1024xi32>
    %xor3A_25 = arith.xori %iota3A, %xor3A_24 : vector<4096x1024xi32>
    %or3A = arith.ori %and3A_23, %xor3A_25 : vector<4096x1024xi32>
    %bitcast_convert_type3A_26 = tpu.bitcast %or3A : vector<4096x1024xi32> -> vector<4096x1024xf32>
    %reduce_max3A = arith.constant dense<0xFF800000> : vector<1024xf32>
    %reduce_max3A_27 = vector.multi_reduction <maximumf>, %bitcast_convert_type3A_26, %reduce_max3A [0] : vector<4096x1024xf32> to vector<1024xf32>
    %bitcast_convert_type3A_28 = tpu.bitcast %reduce_max3A_27 : vector<1024xf32> -> vector<1024xi32>
    %and3A_29 = arith.constant -4096 : i32
    %and3A_30 = vector.broadcast %and3A_29 : i32 to vector<1024xi32>
    %and3A_31 = arith.andi %bitcast_convert_type3A_28, %and3A_30 : vector<1024xi32>
    %bitcast_convert_type3A_32 = tpu.bitcast %and3A_31 : vector<1024xi32> -> vector<1024xf32>
    %get3A_33 = arith.constant 0 : index
    %get3A_34 = vector.load %arg6[%get3A_33] : memref<1024xf32, #tpu.memory_space<vmem>>, vector<1024xf32>
    %gt3A_35 = arith.cmpf ogt, %bitcast_convert_type3A_32, %get3A_34 : vector<1024xf32>
    %and3A_36 = arith.constant 4095 : i32
    %and3A_37 = vector.broadcast %and3A_36 : i32 to vector<1024xi32>
    %and3A_38 = arith.andi %bitcast_convert_type3A_28, %and3A_37 : vector<1024xi32>
    %xor3A_39 = arith.constant 4095 : i32
    %xor3A_40 = vector.broadcast %xor3A_39 : i32 to vector<1024xi32>
    %xor3A_41 = arith.xori %and3A_38, %xor3A_40 : vector<1024xi32>
    %mul3A_42 = arith.constant 4096 : i32
    %mul3A_43 = arith.muli %arg0, %mul3A_42 : i32
    %add3A = vector.broadcast %mul3A_43 : i32 to vector<1024xi32>
    %add3A_44 = arith.addi %add3A, %xor3A_41 : vector<1024xi32>
    %get3A_45 = arith.constant 0 : index
    %get3A_46 = vector.load %arg7[%get3A_45] : memref<1024xi32, #tpu.memory_space<vmem>>, vector<1024xi32>
    %select_n3A_47 = arith.select %gt3A_35, %add3A_44, %get3A_46 : vector<1024xi1>, vector<1024xi32>
    %swap3A_48 = arith.constant 0 : index
    %swap3A_49 = vector.load %arg7[%swap3A_48] : memref<1024xi32, #tpu.memory_space<vmem>>, vector<1024xi32>
    tpu.vector_store %arg7[%swap3A_48], %select_n3A_47 {strides = array<i32>} : memref<1024xi32, #tpu.memory_space<vmem>>, vector<1024xi32>,
    %get3A_50 = arith.constant 0 : index
    %get3A_51 = vector.load %arg6[%get3A_50] : memref<1024xf32, #tpu.memory_space<vmem>>, vector<1024xf32>
    %select_n3A_52 = arith.select %gt3A_35, %bitcast_convert_type3A_32, %get3A_51 : vector<1024xi1>, vector<1024xf32>
    %swap3A_53 = arith.constant 0 : index
    %swap3A_54 = vector.load %arg6[%swap3A_53] : memref<1024xf32, #tpu.memory_space<vmem>>, vector<1024xf32>
    tpu.vector_store %arg6[%swap3A_53], %select_n3A_52 {strides = array<i32>} : memref<1024xf32, #tpu.memory_space<vmem>>, vector<1024xf32>,
    %eq3A_55 = arith.constant 15 : i32
    %eq3A_56 = arith.cmpi eq, %arg0, %eq3A_55 : i32
    %convert_element_type3A_57 = arith.extui %eq3A_56 : i1 to i32
    %cond3A_58 = arith.constant 0 : i32
    %cond3A_59 = arith.cmpi ne, %convert_element_type3A_57, %cond3A_58 : i32
    scf.if %cond3A_59 {
      %get3A_60 = arith.constant 0 : index
      %get3A_61 = vector.load %arg7[%get3A_60] : memref<1024xi32, #tpu.memory_space<vmem>>, vector<1024xi32>
      %swap3A_62 = arith.constant 0 : index
      %swap3A_63 = vector.load %arg3[%swap3A_62] : memref<1024xi32, #tpu.memory_space<vmem>>, vector<1024xi32>
      tpu.vector_store %arg3[%swap3A_62], %get3A_61 {strides = array<i32>} : memref<1024xi32, #tpu.memory_space<vmem>>, vector<1024xi32>,
    } else {
    }
    return
  }
  func.func @transform_0(%arg0: i32) -> (i32, i32) {
    %c0_i32 = arith.constant 0 : i32
    %c0_i32_0 = arith.constant 0 : i32
    %c0_i32_1 = arith.constant 0 : i32
    return %c0_i32, %c0_i32_0 : i32, i32
  }
  func.func @transform_1(%arg0: i32) -> (i32, i32) {
    %c0_i32 = arith.constant 0 : i32
    %c0_i32_0 = arith.constant 0 : i32
    return %c0_i32, %arg0 : i32, i32
  }
  func.func @transform_2(%arg0: i32) -> i32 {
    %c0_i32 = arith.constant 0 : i32
    %c0_i32_0 = arith.constant 0 : i32
    return %c0_i32 : i32
  }
  func.func @transform_3(%arg0: i32) -> (i32, i32) {
    %c0_i32 = arith.constant 0 : i32
    %c0_i32_0 = arith.constant 0 : i32
    return %arg0, %c0_i32 : i32, i32
  }
}

</mosaic_0001>

<sc_bundles>
// kernel: kernel.5.cloned.1.call-start
scs
__scs_entry_jumppad:
0x0: {  	(pc) =	sbr.rel $0x88, $3  }
0x1: {  	(tag) =	ssettag $0x0;
	lr =	simm.s32 $0x1  }
0x2: {  	[smem:$0x3F9E] =	sst lr;
	_ =	strace $0xD0000000  }
0x3: {  	_ = 	snop  }
0x4: {  	_ = 	snop  }
0x5: {  	_ = 	snop  }
0x6: {  	_ = 	snop  }
0x7: {  	_ = 	snop  }
__scs_overlays_trampoline_lowered:
0x8: {  	[smem:$0x3FAD] =	sst s0  }
0x9: {  	[smem:$0x3FAE] =	sst s1  }
0xa: {  	[smem:$0x3FAF] =	sst s2  }
0xb: {  	[smem:$0x3FB0] =	sst s3  }
0xc: {  	[smem:$0x3FB1] =	sst s4  }
0xd: {  	[smem:$0x3FB2] =	sst s5  }
0xe: {  	[smem:$0x3FB3] =	sst s6  }
0xf: {  	[smem:$0x3FB4] =	sst s7  }
0x10: {  	[smem:$0x3FB5] =	sst s8  }
0x11: {  	[smem:$0x3FB6] =	sst s9;
	s0 =	simm.s32 @!p0 $0x0  }
0x12: {  	s1 =	sld [smem:$0x3F9C];
	s0 =	simm.s32 @p0 $0x1  }
0x13: {  	[smem:$0x3FB7] =	sst s0;
	s0 =	simm.s32 @!p1 $0x0  }
0x14: {  	s2 =	sld [smem:$0x3F9B];
	s0 =	simm.s32 @p1 $0x1  }
0x15: {  	[smem:$0x3FB8] =	sst s0;
	s0 =	simm.s32 @!p2 $0x0  }
0x16: {  	s3 =	sld [smem:$0x3FDB];
	s0 =	simm.s32 @p2 $0x1  }
0x17: {  	s4 =	simm.s32 $0x1BF5;
	[smem:$0x3FBA] =	sst s0  }
0x18: {  	s0 =	sld [smem:$0x3F9D];
	_ =	swait.ge [sflag:s4], $0x0  }
0x19: {  	s7 =	sld [smem:$0x3F9E]  }
0x1a: {  	s8 =	sadd.s32 $0xFFFFE003, lr  }
0x1b: {  	s9 =	sadd.s32 $0xFFFFFEF7, lr;
	s5 =	simm.s32 $0xFFFFFFFF;
	p2 =	slt.u32 s8, $0xFFFFF086  }
0x1c: {  	p1 =	slt.u32 s9, $0xF7A;
	s5 =	simm.s32 @!p2 $0x0  }
0x1d: {  	s5 =	simm.s32 @p1 $0x1;
	p0 =	seq.s32 s7, s2  }
0x1e: {  	s7 =	smul.u32 @!p0 $0xF7A, s2;
	p2 =	seq.s32 @!p0 s5, $0x0  }
0x1f: {  	s9 =	smul.u32 $0xF7A, s1;
	s8 =	simm.s32 @!p0 $0x1BF5;
	p2 =	por !p2, p0  }
0x20: {  	[sflag:s8] =	ssyncset.s32 @!p0 $0xFFFFF086;
	s6 =	sadd.s32 @!p0 s3, s7;
	s7 =	simm.s32 @!p0 $0x108  }
0x21: {  	s3 =	sadd.s32 s3, s9;
	s6 =	sadd.s32 @!p0 $0x88, s6;
	s7 =	simm.s32 @p2 $0x1082  }
0x22: {  	[simem:s7], [sflag:s8] =	dma.local @!p0 [hbm:s6], $0xF7A  }
0x23: {  	s9 =	sor.u32 $0xD0000000, s2;
	s6 =	simm.s32 $0x108;
	_ =	swait.ge @!p0 [sflag:s8], $0x0  }
0x24: {  	s3 =	sadd.s32 $0x88, s3;
	s6 =	simm.s32 @!p1 $0x1082;
	[sflag:s4] =	ssyncset.s32 $0xFFFFF086  }
0x25: {  	[simem:s6], [sflag:s4] =	dma.local [hbm:s3], $0xF7A  }
0x26: {  	[smem:$0x3F9E] =	sst s1;
	(tag) =	ssettag s2;
	_ =	strace s9  }
0x27: {  	s1 =	sld [smem:$0x3FAE]  }
0x28: {  	s2 =	sld [smem:$0x3FAF]  }
0x29: {  	s4 =	sld [smem:$0x3FB1]  }
0x2a: {  	p0 =	seq.s32 s5, $0x0;
	s5 =	sld [smem:$0x3FB2]  }
0x2b: {  	s6 =	sld [smem:$0x3FB3]  }
0x2c: {  	s7 =	sld [smem:$0x3FB4]  }
0x2d: {  	s3 =	simm.s32 $0x108;
	s8 =	sld [smem:$0x3FB5]  }
0x2e: {  	s3 =	simm.s32 @!p0 $0x1082;
	s9 =	sld [smem:$0x3FB6]  }
0x2f: {  	lr =	sadd.s32 s0, s3;
	s0 =	sld [smem:$0x3FAD]  }
0x30: {  	s3 =	sld [smem:$0x3FB0]  }
0x31: {  	[smem:$0x3FB9] =	sst s10  }
0x32: {  	s10 =	sld [smem:$0x3FB7];
	_ =	sdelay $0x3  }
0x33: {  	p0 =	seq.s32 s10, $0x1;
	s10 =	sld [smem:$0x3FB9];
	_ =	sdelay $0x3  }
0x34: {  	[smem:$0x3FB9] =	sst s10  }
0x35: {  	s10 =	sld [smem:$0x3FB8];
	_ =	sdelay $0x3  }
0x36: {  	p1 =	seq.s32 s10, $0x1;
	s10 =	sld [smem:$0x3FB9];
	_ =	sdelay $0x3  }
0x37: {  	[smem:$0x3FB9] =	sst s10  }
0x38: {  	s10 =	sld [smem:$0x3FBA]  }
0x39: {  	_ = 	snop;
	(pc) =	sbr.ind lr, $3  }
0x3a: {  	_ = 	snop  }
0x3b: {  	_ = 	snop  }
0x3c: {  	p2 =	seq.s32 s10, $0x1;
	s10 =	sld [smem:$0x3FB9]  }
0x3d: {  	_ =	shalt  }
0x3e: {  	_ =	shalt  }
0x3f: {  	_ =	shalt  }
0x40: {  	_ =	shalt  }
0x41: {  	_ =	shalt  }
0x42: {  	_ =	shalt  }
0x43: {  	_ =	shalt  }
0x44: {  	_ =	shalt  }
0x45: {  	_ =	shalt  }
0x46: {  	_ =	shalt  }
0x47: {  	_ =	shalt  }
0x48: {  	_ =	shalt  }
0x49: {  	_ =	shalt  }
0x4a: {  	_ =	shalt  }
0x4b: {  	_ =	shalt  }
0x4c: {  	_ =	shalt  }
0x4d: {  	_ =	shalt  }
0x4e: {  	_ =	shalt  }
0x4f: {  	_ =	shalt  }
0x50: {  	_ =	shalt  }
0x51: {  	_ =	shalt  }
0x52: {  	_ =	shalt  }
0x53: {  	_ =	shalt  }
0x54: {  	_ =	shalt  }
0x55: {  	_ =	shalt  }
0x56: {  	_ =	shalt  }
0x57: {  	_ =	shalt  }
0x58: {  	_ =	shalt  }
0x59: {  	_ =	shalt  }
0x5a: {  	_ =	shalt  }
0x5b: {  	_ =	shalt  }
0x5c: {  	_ =	shalt  }
0x5d: {  	_ =	shalt  }
0x5e: {  	_ =	shalt  }
0x5f: {  	_ =	shalt  }
0x60: {  	_ =	shalt  }
0x61: {  	_ =	shalt  }
0x62: {  	_ =	shalt  }
0x63: {  	_ =	shalt  }
0x64: {  	_ =	shalt  }
0x65: {  	_ =	shalt  }
0x66: {  	_ =	shalt  }
0x67: {  	_ =	shalt  }
0x68: {  	_ =	shalt  }
0x69: {  	_ =	shalt  }
0x6a: {  	_ =	shalt  }
0x6b: {  	_ =	shalt  }
0x6c: {  	_ =	shalt  }
0x6d: {  	_ =	shalt  }
0x6e: {  	_ =	shalt  }
0x6f: {  	_ =	shalt  }
0x70: {  	_ =	shalt  }
0x71: {  	_ =	shalt  }
0x72: {  	_ =	shalt  }
0x73: {  	_ =	shalt  }
0x74: {  	_ =	shalt  }
0x75: {  	_ =	shalt  }
0x76: {  	_ =	shalt  }
0x77: {  	_ =	shalt  }
0x78: {  	_ =	shalt  }
0x79: {  	_ =	shalt  }
0x7a: {  	_ =	shalt  }
0x7b: {  	_ =	shalt  }
0x7c: {  	_ =	shalt  }
0x7d: {  	_ =	shalt  }
0x7e: {  	_ =	shalt  }
0x7f: {  	_ =	shalt  }
0x80: {  	_ =	shalt  }
0x81: {  	_ =	shalt  }
0x82: {  	_ =	shalt  }
0x83: {  	_ =	shalt  }
0x84: {  	_ =	shalt  }
0x85: {  	_ =	shalt  }
0x86: {  	_ =	shalt  }
0x87: {  	_ =	shalt  }
.Lfunc_end0:
.L_simem_size_0:
called_computation_lowered:
.L_overlay_start_0:
0x88: {  	s2 =	sld [smem:$0x3FD9]  }
0x89: {  	s3 =	sld [smem:$0x3FFE];
	_ =	sdelay $0x1  }
0x8a: {  	s1 =	srdreg.scid  }
0x8b: {  	s0 =	sand.u32 $0x1, s1  }
0x8c: {  	s16 =	sshll.u32 s0, $0xA;
	s2 =	sadd.s32 s3, s2  }
0x8d: {  	s2 =	sadd.s32 s2, s16  }
0x8e: {  	[smem:$0x3FC5] =	sst s2  }
0x8f: {  	_ = 	snop  }
0x90: {  	(tm) =	ssettm $0x1  }
0x91: {  	s17 =	sld [smem:$0x3FFB];
	_ =	sdelay $0x3  }
0x92: {  	_ =	strace s17  }
0x93: {  	s2 =	sld [smem:$0x3FFC];
	_ =	sdelay $0x3  }
0x94: {  	_ =	strace s2  }
0x95: {  	s2 =	sld [smem:$0x3FFD];
	_ =	sdelay $0x3  }
0x96: {  	_ =	strace s2  }
0x97: {  	_ =	strace $0x8FFFFFFF  }
0x98: {  	s18 =	sld [smem:$0x3FDB];
	_ =	sdelay $0x1  }
0x99: {  	s19 =	simm.s32 $_scs_section_size  }
0x9a: {  	s4 =	simm.s32 $_size__tile_overlayer_lowered;
	s5 =	simm.s32 $_tile_overlayer_lowered  }
0x9b: {  	s22 =	simm.s32 $0x1BFF;
	s21 =	sshll.u32 s5, $0x1;
	s2 =	sadd.s32 s19, s18  }
0x9c: {  	s6 =	simm.s32 $0x0;
	s20 =	sshll.u32 s4, $0x1;
	s4 =	sadd.s32 s21, s2  }
0x9d: {  	[timem:s6], [sflag:s22] =	dma.local [hbm:s4], s20  }
0x9e: {  	_ =	swait.ge [sflag:s22], s20  }
0x9f: {  	s3 =	ssub.s32 $0x0, s20;
	[sflag:s22] =	ssyncset.done $0x0  }
0xa0: {  	[sflag:s22] =	ssyncadd.s32 s3;
	_ =	sdelay $0x1  }
0xa1: {  	s23 =	simm.s32 $0x1B8B  }
0xa2: {  	_ =	swait.ge [sflag:s23], $0x1  }
0xa3: {  	[sflag:s23] =	ssyncset.done $0x0  }
0xa4: {  	s25 =	simm.s32 $0x1B8E;
	s24 =	sld [smem:$0x3FFE];
	[sflag:s23] =	ssyncadd.s32 $0xFFFFFFFF  }
0xa5: {  	s26 =	simm.s32 $execute0_lowered;
	[smem:$0x3FD2] =	sst s25  }
0xa6: {  	s4 =	sshll.u32 s26, $0x1;
	_ =	strace $0x80000046;
	[dreg:$0x1] =	wrdreg $0xFFFFFFFF  }
0xa7: {  	s28 =	simm.s32 $_size_execute0_lowered;
	s2 =	sadd.s32 s2, s4;
	[dreg:$0x0] =	wrdreg $0x0  }
0xa8: {  	s4 =	sshll.u32 s28, $0x1;
	[dreg:$0x2] =	wrdreg s2  }
0xa9: {  	[dreg:$0x3] =	wrdreg s4  }
0xaa: {  	[dreg:$0x4] =	wrdreg $0xC0  }
0xab: {  	_ =	task [dreg:s6], $0x5FFFF  }
0xac: {  	[dreg:$0x1] =	wrdreg $0xFFFFFFFF  }
0xad: {  	[dreg:$0x0] =	wrdreg $0x60  }
0xae: {  	[dreg:$0x2] =	wrdreg s24  }
0xaf: {  	[dreg:$0x3] =	wrdreg $0x9  }
0xb0: {  	_ =	task.clear_ibuf [dreg:s6], $0x4FFFF;
	_ =	strace $0x90000046  }
0xb1: {  	s29 =	simm.s32 $0x9;
	_ =	strace $0x80000048  }
0xb2: {  	_ =	swait.ge [sflag:s29], $0x1  }
0xb3: {  	[sflag:s29] =	ssyncadd.s32 $0xFFFFFFFF  }
0xb4: {  	_ =	strace $0x90000048  }
0xb5: {  	_ =	sfence  }
0xb6: {  	s30 =	sld [smem:$0x0];
	_ =	sdelay $0x2  }
0xb7: {  	s31 =	sshll.u32 s1, $0xD;
	s1 =	sshrl.u32 s1, $0x2  }
0xb8: {  	s3 =	sand.u32 $0x4000, s31;
	s1 =	sadd.s32 s1, s30  }
0xb9: {  	s0 =	sor.u32 s3, s0;
	s1 =	sshll.u32 s1, $0x11  }
0xba: {  	s0 =	sor.u32 s1, s0  }
0xbb: {  	s0 =	sadd.s32 $0x8F2B, s0  }
0xbc: {  	[sflag:s0] =	ssyncadd.remote.s32 $0x1  }
0xbd: {  	_ =	sfence.sel $0xFFFF  }
0xbe: {  	[dreg:$0x0] =	wrdreg $0xFFFFFFFF;
	(pc) =	sbr.abs _section_cstart, $3  }
0xbf: {  	[dreg:$0x1] =	wrdreg $0xFFFFFFFF  }
0xc0: {  	_ =	task.clear_ibuf [dreg:s6], $0x2FFFF;
	_ =	strace $0x9FFFFFFF  }
0xc1: {  	(tm) =	ssettm $0x7FFFFFFF  }
tec
execute0_lowered:
.L_overlay_start_1:
0x0: {  	(tag) =	ssettag $0x1  }
0x1: {  	s1 =	srdreg.scid  }
0x2: {  	s0 =	stileid.u32;
	s9 =	rddreg [dreg:$0x0];
	s6 =	sand.u32 $0x1, s1  }
0x3: {  	s7 =	simm.s32 $0x80;
	s30 =	sshll.u32 s0, $0x6;
	s2 =	sshll.u32 s6, $0x5  }
0x4: {  	s8 =	simm.s32 $0x1;
	s1 =	rddreg [dreg:$0x1];
	s10 =	sor.u32 s2, s30  }
0x5: {  	s5 =	sadd.s32 $0x1000, s9;
	s2 =	simm.s32 $0x0;
	s3 =	sshrl.u32 s10, $0x3  }
0x6: {  	s11 =	ssub.s32 $0x2, s6;
	[smem:$0x7FF] =	sst s2;
	s3 =	sadd.s32 s3, s9  }
0x7: {  	_ =	strace $0x80000047;
	s4 =	sadd.s32 $0x101000, s3;
	s3 =	simm.s32 $0x2  }
0x8: {  	[tilespmem:s2], [sflag:$0x2] =	stream.linear.gather [hbm4b:s4+s2], $0x20, $0x38;
	[tilespmem:$0x1080] =	vst v63  }
0x9: {  	s6 =	simm.s32 $0x20;
	s12 =	sshrl.u32 s11, $0x1;
	_ =	swait.ge [sflag:s3], $0x20  }
0xa: {  	s10 =	sshll.u32 s10, $0x4;
	s31 =	ssub.s32 s11, s12;
	[sflag:s3] =	ssyncset.done $0x0  }
0xb: {  	s9 =	sadd.s32 s10, s9;
	s10 =	smax.u32 s31, $0x1;
	[sflag:s3] =	ssyncadd.s32 $0xFFFFFFE0  }
0xc: {  	[tilespmem:s7], [sflag:$0x1] =	stream.indirect.gather [hbm4b:s5+s6], $0x80, s2, s6, $0xb8;
	[tilespmem:$0x1080] =	vst v63  }
0xd: {  	p0 =	sne.s32 s10, $0x1;
	_ =	swait.ge [sflag:s8], $0x1000  }
.Ltmp0:
0xe: {  	[sflag:s8] =	ssyncset.done $0x0;
	(pc) =	sbr.rel @!p0 .LBB2_2-.Ltmp0, $4  }
0xf: {  	s9 =	sadd.s32 $0x101200, s9;
	[sflag:s8] =	ssyncadd.s32 $0xFFFFF000  }
0x10: {  	[hbm4b:s9+s2] =	stream.linear.scatter [tilespmem:s7], [sflag:$0x2], $0x1000, $0x38;
	[tilespmem:$0x1080] =	vst v63  }
0x11: {  	_ =	swait.ge [sflag:s3], $0x1000  }
0x12: {  	s10 =	sadd.s32 $0xFFFFFFFF, s10;
	[sflag:s3] =	ssyncset.done $0x0  }
.LBB2_1:
0x13: {  	p0 =	sne.s32 s10, $0x1;
	s10 =	sadd.s32 $0xFFFFFFFF, s10;
	[sflag:s3] =	ssyncadd.s32 $0xFFFFF000  }
0x14: {  	[tilespmem:s2], [sflag:$0x2] =	stream.linear.gather [hbm4b:s4+s2], $0x20, $0x38;
	[tilespmem:$0x1080] =	vst v63  }
0x15: {  	_ =	swait.ge [sflag:s3], $0x20  }
0x16: {  	[sflag:s3] =	ssyncset.done $0x0  }
0x17: {  	[sflag:s3] =	ssyncadd.s32 $0xFFFFFFE0  }
0x18: {  	[tilespmem:s7], [sflag:$0x1] =	stream.indirect.gather [hbm4b:s5+s6], $0x80, s2, s6, $0xb8;
	[tilespmem:$0x1080] =	vst v63  }
0x19: {  	_ =	swait.ge [sflag:s8], $0x1000  }
.Ltmp1:
0x1a: {  	[sflag:s8] =	ssyncset.done $0x0;
	(pc) =	sbr.rel @p0 .LBB2_1-.Ltmp1, $4  }
0x1b: {  	[sflag:s8] =	ssyncadd.s32 $0xFFFFF000  }
0x1c: {  	[hbm4b:s9+s2] =	stream.linear.scatter [tilespmem:s7], [sflag:$0x2], $0x1000, $0x38;
	[tilespmem:$0x1080] =	vst v63  }
0x1d: {  	_ =	swait.ge [sflag:s3], $0x1000  }
0x1e: {  	[sflag:s3] =	ssyncset.done $0x0  }
.LBB2_2:
0x1f: {  	[sflag:s3] =	ssyncadd.s32 $0xFFFFF000  }
0x20: {  	_ =	sfence.sel $0x180000  }
0x21: {  	[bflag:$0x0] =	sbarrier.arrive $0xFFFF  }
0x22: {  	p0 =	sne.s32 s0, $0x0;
	_ =	strace $0x90000047  }
0x23: {  	s0 =	sadd.s32 @!p0 $0x100000, s1;
	[bflag:$0x2] =	sbarrier.arrive $0xFFFF  }
0x24: {  	[sflag:s0] =	ssyncadd.tile.s32 @!p0 $0x1;
	_ =	shalt  }
.Lfunc_end2:
_tile_overlayer_lowered:
.L_overlay_start_2:
0x25: {  	(tag) =	ssettag $0x2  }
0x26: {  	s0 =	rddreg [dreg:$0x0];
	s2 =	stileid.u32  }
0x27: {  	s1 =	rddreg [dreg:$0x1];
	p0 =	sne.s32 s2, $0x0  }
0x28: {  	s3 =	rddreg [dreg:$0x2];
	[bflag:$0x3] =	sbarrier.arrive $0xFFFF;
	s2 =	simm.s32 @!p0 $0x1C02  }
0x29: {  	[timem:s3], [sflag:s2] =	dma.local @!p0 [hbm:s0], s1  }
0x2a: {  	s0 =	simm.s32 @!p0 $0x2  }
0x2b: {  	_ =	swait.ge @!p0 [sflag:s0], s1  }
0x2c: {  	s1 =	ssub.s32 @!p0 $0x0, s1;
	[sflag:s0] =	ssyncset.done @!p0 $0x0  }
0x2d: {  	[sflag:s0] =	ssyncadd.s32 @!p0 s1  }
0x2e: {  	[bflag:$0x3] =	sbarrier.arrive $0xFFFF  }
0x2f: {  	_ =	shalt  }

</sc_bundles>
